<compile_context>
chip_gen: v7x
topology: tpu7x:2x2x1
jax: 0.10.2.dev20260603
libtpu: 0.0.44.dev20260713+nightly
codegen_flags: <defaults>
</compile_context>

<pallas_src>
import jax
import jax.numpy as jnp
from jax import lax
from jax.experimental import pallas as pl
from jax.experimental.pallas import tpu as pltpu
from jax.experimental.pallas import tpu_sc as plsc

VOCAB = 100000
DIM = 32
B = 1024
L = 200

_NC = 2
_NS = 16
_NW = _NC * _NS
_SPW = B // _NW


def _pool_body(x_hbm, emb_hbm, out_hbm, idx_v, rows_v, acc_v, sem_a, sem_b):
    wid = lax.axis_index("s") * _NC + lax.axis_index("c")
    base = wid * _SPW
    pltpu.sync_copy(x_hbm.at[pl.ds(base, _SPW), :], idx_v)

    def issue(s, buf, sem):
        pltpu.async_copy(
            emb_hbm.at[idx_v.at[s, pl.ds(0, 128)]],
            rows_v.at[buf, pl.ds(0, 128)], sem)
        pltpu.async_copy(
            emb_hbm.at[idx_v.at[s, pl.ds(128, L - 128)]],
            rows_v.at[buf, pl.ds(128, L - 128)], sem)

    def drain(buf, sem):
        pltpu.make_async_copy(
            emb_hbm.at[idx_v.at[0, pl.ds(0, 128)]],
            rows_v.at[buf, pl.ds(0, 128)], sem).wait()
        pltpu.make_async_copy(
            emb_hbm.at[idx_v.at[0, pl.ds(0, L - 128)]],
            rows_v.at[buf, pl.ds(128, L - 128)], sem).wait()

    def accum(buf, s):
        rows = rows_v.at[buf]

        def step(r, accs):
            a0, a1, a2, a3 = accs
            q = r * 4
            a0 = a0 + rows[q, pl.ds(0, 16)]
            a1 = a1 + rows[q, pl.ds(16, 16)]
            a2 = a2 + rows[q + 1, pl.ds(0, 16)]
            a3 = a3 + rows[q + 1, pl.ds(16, 16)]
            a0 = a0 + rows[q + 2, pl.ds(0, 16)]
            a1 = a1 + rows[q + 2, pl.ds(16, 16)]
            a2 = a2 + rows[q + 3, pl.ds(0, 16)]
            a3 = a3 + rows[q + 3, pl.ds(16, 16)]
            return a0, a1, a2, a3

        z = jnp.zeros((16,), jnp.float32)
        a0, a1, a2, a3 = lax.fori_loop(0, L // 4, step, (z, z, z, z))
        acc_v[s, pl.ds(0, 16)] = a0 + a2
        acc_v[s, pl.ds(16, 16)] = a1 + a3

    issue(0, 0, sem_a)

    def pair(p, carry):
        s = p * 2
        issue(s + 1, 1, sem_b)
        drain(0, sem_a)
        accum(0, s)

        @pl.when(p + 1 < _SPW // 2)
        def _():
            issue(s + 2, 0, sem_a)

        drain(1, sem_b)
        accum(1, s + 1)
        return carry

    lax.fori_loop(0, _SPW // 2, pair, 0)
    pltpu.sync_copy(acc_v, out_hbm.at[pl.ds(base, _SPW), :])


_pool = pl.kernel(
    _pool_body,
    out_type=jax.ShapeDtypeStruct((B, DIM), jnp.float32),
    mesh=plsc.VectorSubcoreMesh(core_axis_name="c", subcore_axis_name="s"),
    scratch_types=[
        pltpu.VMEM((_SPW, L), jnp.int32),
        pltpu.VMEM((2, L, DIM), jnp.float32),
        pltpu.VMEM((_SPW, DIM), jnp.float32),
        pltpu.SemaphoreType.DMA,
        pltpu.SemaphoreType.DMA,
    ],
    compiler_params=pltpu.CompilerParams(use_tc_tiling_on_sc=False),
)


_VBLK = 2048
_NV = (VOCAB + _VBLK - 1) // _VBLK


def _mmT_body(p_ref, wt_ref, b_ref, o_ref):
    p = p_ref[...] * (1.0 / L)
    acc = lax.dot_general(
        wt_ref[...], p, (((0,), (1,)), ((), ())),
        preferred_element_type=jnp.float32)
    ones = jnp.ones((1, B), jnp.float32)
    bias = lax.dot_general(
        b_ref[...], ones, (((0,), (0,)), ((), ())),
        preferred_element_type=jnp.float32)
    o_ref[...] = acc + bias


def _matmul_t(pooled, WT, b2d):
    return pl.pallas_call(
        _mmT_body,
        grid=(_NV,),
        in_specs=[
            pl.BlockSpec((B, DIM), lambda i: (0, 0)),
            pl.BlockSpec((DIM, _VBLK), lambda i: (0, i)),
            pl.BlockSpec((1, _VBLK), lambda i: (0, i)),
        ],
        out_specs=pl.BlockSpec((_VBLK, B), lambda i: (i, 0)),
        out_shape=jax.ShapeDtypeStruct((VOCAB, B), jnp.float32),
    )(pooled, WT, b2d)


@jax.jit
def _impl(x, emb, W, b):
    sums = _pool(x, emb)
    logits_t = _matmul_t(sums, W.T, b.reshape(1, -1))
    return logits_t.T


def kernel(x, emb, W, b):
    return _impl(x, emb, W, b)

# --- scband reference (transcript-rebuilt; emitter-appended) ---
"""Pipeline reference for scband-simple-masked-predictor-36240934044234 (READ-ONLY COPY).

The authoritative reference and input builder live on the scoring server;
editing this copy changes nothing except your own understanding.
"""

import jax, jax.numpy as jnp
import numpy as np

VOCAB = 100000
DIM = 32
B = 1024
L = 200

def setup_inputs(seed: int = 0) -> dict:
    key = jax.random.key(seed)
    k1, k2, k3, k4 = jax.random.split(key, 4)
    x = jax.random.randint(k1, (B, L), 0, VOCAB, dtype=jnp.int64 if jax.config.jax_enable_x64 else jnp.int32).astype(jnp.int32)
    emb = jax.random.normal(k2, (VOCAB, DIM), dtype=jnp.float32) * 0.02
    W = jax.random.normal(k3, (VOCAB, DIM), dtype=jnp.float32) * 0.02
    b = jnp.zeros((VOCAB,), dtype=jnp.float32)
    return {"x": x, "emb": emb, "W": W, "b": b}

def reference(x, emb, W, b):
    # embedding lookup: gather rows of the table
    embedded = jnp.take(emb, x, axis=0)            # [B, L, D]
    pooled = embedded.mean(axis=1)                  # [B, D]
    logits = pooled @ W.T + b                       # [B, VOCAB]
    return logits

if __name__ == "__main__":
    import jax
    _d = setup_inputs()
    print(jax.jit(kernel)(*tuple(_d.values())))

</pallas_src>

<mosaic_0001>
#map = affine_map<(d0, d1) -> (0, 0)>
module attributes {stable_mosaic.version = 14 : i64} {
  func.func @_pool_body(%arg0: i32, %arg1: i32, %arg2: memref<1024x200xi32, #tpu.memory_space<hbm>>, %arg3: memref<100000x32xf32, #tpu.memory_space<hbm>>, %arg4: memref<1024x32xf32, #tpu.memory_space<hbm>>, %arg5: memref<32x200xi32, #tpu.memory_space<vmem>>, %arg6: memref<2x200x32xf32, #tpu.memory_space<vmem>>, %arg7: memref<32x32xf32, #tpu.memory_space<vmem>>, %arg8: memref<!tpu.dma_semaphore, #tpu.memory_space<semaphore_mem>>, %arg9: memref<!tpu.dma_semaphore, #tpu.memory_space<semaphore_mem>>) attributes {dimension_semantics = [#tpu.dimension_semantics<core_parallel>, #tpu.dimension_semantics<subcore_parallel>], iteration_bounds = array<i64: 2, 16>, scalar_prefetch = 0 : i64, scratch_operands = 5 : i64, tpu.core_type = #tpu.core_type<sc_vector_subcore>, window_params = [{transform_indices = #map}, {transform_indices = #map}, {transform_indices = #map}]} {
    %mul3A = arith.constant 2 : i32
    %mul3A_0 = arith.muli %arg1, %mul3A : i32
    %add3A = arith.addi %mul3A_0, %arg0 : i32
    %mul3A_1 = arith.constant 32 : i32
    %mul3A_2 = arith.muli %add3A, %mul3A_1 : i32
    "tpu.region"() ({
      %run_scoped3A = tpu.sem_alloc : memref<!tpu.dma_semaphore, #tpu.memory_space<semaphore_mem>>
      %dma_start3A_31 = arith.constant 0 : i32
      %dma_start3A_32 = tpu.memref_slice %arg2[%mul3A_2, %dma_start3A_31] : memref<1024x200xi32, #tpu.memory_space<hbm>> -> memref<32x200xi32, #tpu.memory_space<hbm>>
      %dma_start3A_33 = arith.constant 0 : i32
      %dma_start3A_34 = tpu.memref_slice %arg2[%mul3A_2, %dma_start3A_33] : memref<1024x200xi32, #tpu.memory_space<hbm>> -> memref<32x200xi32, #tpu.memory_space<hbm>>
      tpu.enqueue_dma source(%dma_start3A_34 : memref<32x200xi32, #tpu.memory_space<hbm>>) target(%arg5 : memref<32x200xi32, #tpu.memory_space<vmem>>) target_semaphore(%run_scoped3A : memref<!tpu.dma_semaphore, #tpu.memory_space<semaphore_mem>>)
      %dma_wait3A = arith.constant 0 : i32
      %dma_wait3A_35 = tpu.memref_slice %arg2[%mul3A_2, %dma_wait3A] : memref<1024x200xi32, #tpu.memory_space<hbm>> -> memref<32x200xi32, #tpu.memory_space<hbm>>
      %dma_wait3A_36 = arith.constant 0 : i32
      %dma_wait3A_37 = tpu.memref_slice %arg2[%mul3A_2, %dma_wait3A_36] : memref<1024x200xi32, #tpu.memory_space<hbm>> -> memref<32x200xi32, #tpu.memory_space<hbm>>
      tpu.wait_dma2 semaphore(%run_scoped3A : memref<!tpu.dma_semaphore, #tpu.memory_space<semaphore_mem>>) src(%dma_wait3A_37 : memref<32x200xi32, #tpu.memory_space<hbm>>) dst(%arg5 : memref<32x200xi32, #tpu.memory_space<vmem>>)
      tpu.yield
    }) : () -> ()
    %dma_start3A = arith.constant 0 : i32
    %dma_start3A_3 = arith.constant 0 : i32
    %dma_start3A_4 = arith.constant 0 : i32
    %dma_start3A_5 = arith.constant 0 : i32
    %dma_start3A_6 = tpu.memref_slice %arg6[%dma_start3A_3, %dma_start3A_4, %dma_start3A_5] : memref<2x200x32xf32, #tpu.memory_space<vmem>> -> memref<1x128x32xf32, #tpu.memory_space<vmem>>
    %dma_start3A_7 = tpu.memref_squeeze %dma_start3A_6 : memref<1x128x32xf32, #tpu.memory_space<vmem>> -> memref<128x32xf32, #tpu.memory_space<vmem>>
    %dma_start3A_8 = arith.constant 0 : i32
    %dma_start3A_9 = tpu.memref_slice %arg5[%dma_start3A, %dma_start3A_8] : memref<32x200xi32, #tpu.memory_space<vmem>> -> memref<1x128xi32, #tpu.memory_space<vmem>>
    %dma_start3A_10 = tpu.memref_squeeze %dma_start3A_9 : memref<1x128xi32, #tpu.memory_space<vmem>> -> memref<128xi32, #tpu.memory_space<vmem>>
    %dma_start3A_11 = arith.constant 0 : i32
    %dma_start3A_12 = arith.constant 0 : i32
    %dma_start3A_13 = tpu.memref_slice %arg3[%dma_start3A_11, %dma_start3A_12] : memref<100000x32xf32, #tpu.memory_space<hbm>> -> memref<100000x32xf32, #tpu.memory_space<hbm>>
    tpu.enqueue_indirect_dma source(%dma_start3A_13 : memref<100000x32xf32, #tpu.memory_space<hbm>>) target(%dma_start3A_7 : memref<128x32xf32, #tpu.memory_space<vmem>>) offsets(%dma_start3A_10 : memref<128xi32, #tpu.memory_space<vmem>>) semaphore(%arg8 : memref<!tpu.dma_semaphore, #tpu.memory_space<semaphore_mem>>)
    %dma_start3A_14 = arith.constant 0 : i32
    %dma_start3A_15 = arith.constant 0 : i32
    %dma_start3A_16 = arith.constant 128 : i32
    %dma_start3A_17 = arith.constant 0 : i32
    %dma_start3A_18 = tpu.memref_slice %arg6[%dma_start3A_15, %dma_start3A_16, %dma_start3A_17] : memref<2x200x32xf32, #tpu.memory_space<vmem>> -> memref<1x72x32xf32, #tpu.memory_space<vmem>>
    %dma_start3A_19 = tpu.memref_squeeze %dma_start3A_18 : memref<1x72x32xf32, #tpu.memory_space<vmem>> -> memref<72x32xf32, #tpu.memory_space<vmem>>
    %dma_start3A_20 = arith.constant 128 : i32
    %dma_start3A_21 = tpu.memref_slice %arg5[%dma_start3A_14, %dma_start3A_20] : memref<32x200xi32, #tpu.memory_space<vmem>> -> memref<1x72xi32, #tpu.memory_space<vmem>>
    %dma_start3A_22 = tpu.memref_squeeze %dma_start3A_21 : memref<1x72xi32, #tpu.memory_space<vmem>> -> memref<72xi32, #tpu.memory_space<vmem>>
    %dma_start3A_23 = arith.constant 0 : i32
    %dma_start3A_24 = arith.constant 0 : i32
    %dma_start3A_25 = tpu.memref_slice %arg3[%dma_start3A_23, %dma_start3A_24] : memref<100000x32xf32, #tpu.memory_space<hbm>> -> memref<100000x32xf32, #tpu.memory_space<hbm>>
    tpu.enqueue_indirect_dma source(%dma_start3A_25 : memref<100000x32xf32, #tpu.memory_space<hbm>>) target(%dma_start3A_19 : memref<72x32xf32, #tpu.memory_space<vmem>>) offsets(%dma_start3A_22 : memref<72xi32, #tpu.memory_space<vmem>>) semaphore(%arg8 : memref<!tpu.dma_semaphore, #tpu.memory_space<semaphore_mem>>)
    %scan3A = arith.constant 0 : i32
    %scan3A_26 = arith.constant 0 : i32
    %scan3A_27 = arith.constant 16 : i32
    %scan3A_28 = arith.addi %scan3A_26, %scan3A_27 : i32
    %scan3A_29 = arith.constant 1 : i32
    scf.for %scan3A_31 = %scan3A_26 to %scan3A_28 step %scan3A_29  : i32 {
      %mul3A_32 = arith.constant 2 : i32
      %mul3A_33 = arith.muli %scan3A_31, %mul3A_32 : i32
      %add3A_34 = arith.constant 1 : i32
      %add3A_35 = arith.addi %mul3A_33, %add3A_34 : i32
      %dma_start3A_36 = arith.constant 1 : i32
      %dma_start3A_37 = arith.constant 0 : i32
      %dma_start3A_38 = arith.constant 0 : i32
      %dma_start3A_39 = tpu.memref_slice %arg6[%dma_start3A_36, %dma_start3A_37, %dma_start3A_38] : memref<2x200x32xf32, #tpu.memory_space<vmem>> -> memref<1x128x32xf32, #tpu.memory_space<vmem>>
      %dma_start3A_40 = tpu.memref_squeeze %dma_start3A_39 : memref<1x128x32xf32, #tpu.memory_space<vmem>> -> memref<128x32xf32, #tpu.memory_space<vmem>>
      %dma_start3A_41 = arith.constant 0 : i32
      %dma_start3A_42 = tpu.memref_slice %arg5[%add3A_35, %dma_start3A_41] : memref<32x200xi32, #tpu.memory_space<vmem>> -> memref<1x128xi32, #tpu.memory_space<vmem>>
      %dma_start3A_43 = tpu.memref_squeeze %dma_start3A_42 : memref<1x128xi32, #tpu.memory_space<vmem>> -> memref<128xi32, #tpu.memory_space<vmem>>
      %dma_start3A_44 = arith.constant 0 : i32
      %dma_start3A_45 = arith.constant 0 : i32
      %dma_start3A_46 = tpu.memref_slice %arg3[%dma_start3A_44, %dma_start3A_45] : memref<100000x32xf32, #tpu.memory_space<hbm>> -> memref<100000x32xf32, #tpu.memory_space<hbm>>
      tpu.enqueue_indirect_dma source(%dma_start3A_46 : memref<100000x32xf32, #tpu.memory_space<hbm>>) target(%dma_start3A_40 : memref<128x32xf32, #tpu.memory_space<vmem>>) offsets(%dma_start3A_43 : memref<128xi32, #tpu.memory_space<vmem>>) semaphore(%arg9 : memref<!tpu.dma_semaphore, #tpu.memory_space<semaphore_mem>>)
      %dma_start3A_47 = arith.constant 1 : i32
      %dma_start3A_48 = arith.constant 128 : i32
      %dma_start3A_49 = arith.constant 0 : i32
      %dma_start3A_50 = tpu.memref_slice %arg6[%dma_start3A_47, %dma_start3A_48, %dma_start3A_49] : memref<2x200x32xf32, #tpu.memory_space<vmem>> -> memref<1x72x32xf32, #tpu.memory_space<vmem>>
      %dma_start3A_51 = tpu.memref_squeeze %dma_start3A_50 : memref<1x72x32xf32, #tpu.memory_space<vmem>> -> memref<72x32xf32, #tpu.memory_space<vmem>>
      %dma_start3A_52 = arith.constant 128 : i32
      %dma_start3A_53 = tpu.memref_slice %arg5[%add3A_35, %dma_start3A_52] : memref<32x200xi32, #tpu.memory_space<vmem>> -> memref<1x72xi32, #tpu.memory_space<vmem>>
      %dma_start3A_54 = tpu.memref_squeeze %dma_start3A_53 : memref<1x72xi32, #tpu.memory_space<vmem>> -> memref<72xi32, #tpu.memory_space<vmem>>
      %dma_start3A_55 = arith.constant 0 : i32
      %dma_start3A_56 = arith.constant 0 : i32
      %dma_start3A_57 = tpu.memref_slice %arg3[%dma_start3A_55, %dma_start3A_56] : memref<100000x32xf32, #tpu.memory_space<hbm>> -> memref<100000x32xf32, #tpu.memory_space<hbm>>
      tpu.enqueue_indirect_dma source(%dma_start3A_57 : memref<100000x32xf32, #tpu.memory_space<hbm>>) target(%dma_start3A_51 : memref<72x32xf32, #tpu.memory_space<vmem>>) offsets(%dma_start3A_54 : memref<72xi32, #tpu.memory_space<vmem>>) semaphore(%arg9 : memref<!tpu.dma_semaphore, #tpu.memory_space<semaphore_mem>>)
      %dma_wait3A = arith.constant 0 : i32
      %dma_wait3A_58 = arith.constant 0 : i32
      %dma_wait3A_59 = arith.constant 0 : i32
      %dma_wait3A_60 = arith.constant 0 : i32
      %dma_wait3A_61 = tpu.memref_slice %arg6[%dma_wait3A_58, %dma_wait3A_59, %dma_wait3A_60] : memref<2x200x32xf32, #tpu.memory_space<vmem>> -> memref<1x128x32xf32, #tpu.memory_space<vmem>>
      %dma_wait3A_62 = tpu.memref_squeeze %dma_wait3A_61 : memref<1x128x32xf32, #tpu.memory_space<vmem>> -> memref<128x32xf32, #tpu.memory_space<vmem>>
      %dma_wait3A_63 = arith.constant 0 : i32
      %dma_wait3A_64 = tpu.memref_slice %arg5[%dma_wait3A, %dma_wait3A_63] : memref<32x200xi32, #tpu.memory_space<vmem>> -> memref<1x128xi32, #tpu.memory_space<vmem>>
      %dma_wait3A_65 = tpu.memref_squeeze %dma_wait3A_64 : memref<1x128xi32, #tpu.memory_space<vmem>> -> memref<128xi32, #tpu.memory_space<vmem>>
      %dma_wait3A_66 = arith.constant 0 : i32
      %dma_wait3A_67 = arith.constant 0 : i32
      %dma_wait3A_68 = tpu.memref_slice %arg3[%dma_wait3A_66, %dma_wait3A_67] : memref<100000x32xf32, #tpu.memory_space<hbm>> -> memref<100000x32xf32, #tpu.memory_space<hbm>>
      tpu.wait_indirect_dma semaphore(%arg8 : memref<!tpu.dma_semaphore, #tpu.memory_space<semaphore_mem>>) src(%dma_wait3A_68 : memref<100000x32xf32, #tpu.memory_space<hbm>>) dst(%dma_wait3A_62 : memref<128x32xf32, #tpu.memory_space<vmem>>)
      %dma_wait3A_69 = arith.constant 0 : i32
      %dma_wait3A_70 = arith.constant 0 : i32
      %dma_wait3A_71 = arith.constant 128 : i32
      %dma_wait3A_72 = arith.constant 0 : i32
      %dma_wait3A_73 = tpu.memref_slice %arg6[%dma_wait3A_70, %dma_wait3A_71, %dma_wait3A_72] : memref<2x200x32xf32, #tpu.memory_space<vmem>> -> memref<1x72x32xf32, #tpu.memory_space<vmem>>
      %dma_wait3A_74 = tpu.memref_squeeze %dma_wait3A_73 : memref<1x72x32xf32, #tpu.memory_space<vmem>> -> memref<72x32xf32, #tpu.memory_space<vmem>>
      %dma_wait3A_75 = arith.constant 0 : i32
      %dma_wait3A_76 = tpu.memref_slice %arg5[%dma_wait3A_69, %dma_wait3A_75] : memref<32x200xi32, #tpu.memory_space<vmem>> -> memref<1x72xi32, #tpu.memory_space<vmem>>
      %dma_wait3A_77 = tpu.memref_squeeze %dma_wait3A_76 : memref<1x72xi32, #tpu.memory_space<vmem>> -> memref<72xi32, #tpu.memory_space<vmem>>
      %dma_wait3A_78 = arith.constant 0 : i32
      %dma_wait3A_79 = arith.constant 0 : i32
      %dma_wait3A_80 = tpu.memref_slice %arg3[%dma_wait3A_78, %dma_wait3A_79] : memref<100000x32xf32, #tpu.memory_space<hbm>> -> memref<100000x32xf32, #tpu.memory_space<hbm>>
      tpu.wait_indirect_dma semaphore(%arg8 : memref<!tpu.dma_semaphore, #tpu.memory_space<semaphore_mem>>) src(%dma_wait3A_80 : memref<100000x32xf32, #tpu.memory_space<hbm>>) dst(%dma_wait3A_74 : memref<72x32xf32, #tpu.memory_space<vmem>>)
      %broadcast_in_dim3A = arith.constant 0.000000e+00 : f32
      %broadcast_in_dim3A_81 = vector.broadcast %broadcast_in_dim3A : f32 to vector<16xf32>
      %scan3A_82 = arith.constant 0 : i32
      %scan3A_83 = arith.constant 0 : i32
      %scan3A_84 = arith.constant 50 : i32
      %scan3A_85 = arith.addi %scan3A_83, %scan3A_84 : i32
      %scan3A_86 = arith.constant 1 : i32
      %scan3A_87:4 = scf.for %scan3A_151 = %scan3A_83 to %scan3A_85 step %scan3A_86 iter_args(%scan3A_152 = %broadcast_in_dim3A_81, %scan3A_153 = %broadcast_in_dim3A_81, %scan3A_154 = %broadcast_in_dim3A_81, %scan3A_155 = %broadcast_in_dim3A_81) -> (vector<16xf32>, vector<16xf32>, vector<16xf32>, vector<16xf32>)  : i32 {
        %mul3A_156 = arith.constant 4 : i32
        %mul3A_157 = arith.muli %scan3A_151, %mul3A_156 : i32
        %get3A = arith.constant 0 : i32
        %get3A_158 = arith.constant 0 : i32
        %get3A_159 = tpu.memref_slice %arg6[%scan3A_82, %get3A, %get3A_158] : memref<2x200x32xf32, #tpu.memory_space<vmem>> -> memref<1x200x32xf32, #tpu.memory_space<vmem>>
        %get3A_160 = tpu.memref_squeeze %get3A_159 : memref<1x200x32xf32, #tpu.memory_space<vmem>> -> memref<200x32xf32, #tpu.memory_space<vmem>>
        %get3A_161 = arith.index_cast %mul3A_157 : i32 to index
        %get3A_162 = arith.constant 0 : index
        %get3A_163 = tpu.vector_load %get3A_160[%get3A_161, %get3A_162] {strides = array<i32>} : memref<200x32xf32, #tpu.memory_space<vmem>>, vector<1x16xf32>,
        %get3A_164 = vector.shape_cast %get3A_163 : vector<1x16xf32> to vector<16xf32>
        %add3A_165 = arith.addf %scan3A_152, %get3A_164 : vector<16xf32>
        %get3A_166 = arith.constant 0 : i32
        %get3A_167 = arith.constant 0 : i32
        %get3A_168 = tpu.memref_slice %arg6[%scan3A_82, %get3A_166, %get3A_167] : memref<2x200x32xf32, #tpu.memory_space<vmem>> -> memref<1x200x32xf32, #tpu.memory_space<vmem>>
        %get3A_169 = tpu.memref_squeeze %get3A_168 : memref<1x200x32xf32, #tpu.memory_space<vmem>> -> memref<200x32xf32, #tpu.memory_space<vmem>>
        %get3A_170 = arith.index_cast %mul3A_157 : i32 to index
        %get3A_171 = arith.constant 16 : index
        %get3A_172 = tpu.vector_load %get3A_169[%get3A_170, %get3A_171] {strides = array<i32>} : memref<200x32xf32, #tpu.memory_space<vmem>>, vector<1x16xf32>,
        %get3A_173 = vector.shape_cast %get3A_172 : vector<1x16xf32> to vector<16xf32>
        %add3A_174 = arith.addf %scan3A_153, %get3A_173 : vector<16xf32>
        %add3A_175 = arith.constant 1 : i32
        %add3A_176 = arith.addi %mul3A_157, %add3A_175 : i32
        %get3A_177 = arith.constant 0 : i32
        %get3A_178 = arith.constant 0 : i32
        %get3A_179 = tpu.memref_slice %arg6[%scan3A_82, %get3A_177, %get3A_178] : memref<2x200x32xf32, #tpu.memory_space<vmem>> -> memref<1x200x32xf32, #tpu.memory_space<vmem>>
        %get3A_180 = tpu.memref_squeeze %get3A_179 : memref<1x200x32xf32, #tpu.memory_space<vmem>> -> memref<200x32xf32, #tpu.memory_space<vmem>>
        %get3A_181 = arith.index_cast %add3A_176 : i32 to index
        %get3A_182 = arith.constant 0 : index
        %get3A_183 = tpu.vector_load %get3A_180[%get3A_181, %get3A_182] {strides = array<i32>} : memref<200x32xf32, #tpu.memory_space<vmem>>, vector<1x16xf32>,
        %get3A_184 = vector.shape_cast %get3A_183 : vector<1x16xf32> to vector<16xf32>
        %add3A_185 = arith.addf %scan3A_154, %get3A_184 : vector<16xf32>
        %add3A_186 = arith.constant 1 : i32
        %add3A_187 = arith.addi %mul3A_157, %add3A_186 : i32
        %get3A_188 = arith.constant 0 : i32
        %get3A_189 = arith.constant 0 : i32
        %get3A_190 = tpu.memref_slice %arg6[%scan3A_82, %get3A_188, %get3A_189] : memref<2x200x32xf32, #tpu.memory_space<vmem>> -> memref<1x200x32xf32, #tpu.memory_space<vmem>>
        %get3A_191 = tpu.memref_squeeze %get3A_190 : memref<1x200x32xf32, #tpu.memory_space<vmem>> -> memref<200x32xf32, #tpu.memory_space<vmem>>
        %get3A_192 = arith.index_cast %add3A_187 : i32 to index
        %get3A_193 = arith.constant 16 : index
        %get3A_194 = tpu.vector_load %get3A_191[%get3A_192, %get3A_193] {strides = array<i32>} : memref<200x32xf32, #tpu.memory_space<vmem>>, vector<1x16xf32>,
        %get3A_195 = vector.shape_cast %get3A_194 : vector<1x16xf32> to vector<16xf32>
        %add3A_196 = arith.addf %scan3A_155, %get3A_195 : vector<16xf32>
        %add3A_197 = arith.constant 2 : i32
        %add3A_198 = arith.addi %mul3A_157, %add3A_197 : i32
        %get3A_199 = arith.constant 0 : i32
        %get3A_200 = arith.constant 0 : i32
        %get3A_201 = tpu.memref_slice %arg6[%scan3A_82, %get3A_199, %get3A_200] : memref<2x200x32xf32, #tpu.memory_space<vmem>> -> memref<1x200x32xf32, #tpu.memory_space<vmem>>
        %get3A_202 = tpu.memref_squeeze %get3A_201 : memref<1x200x32xf32, #tpu.memory_space<vmem>> -> memref<200x32xf32, #tpu.memory_space<vmem>>
        %get3A_203 = arith.index_cast %add3A_198 : i32 to index
        %get3A_204 = arith.constant 0 : index
        %get3A_205 = tpu.vector_load %get3A_202[%get3A_203, %get3A_204] {strides = array<i32>} : memref<200x32xf32, #tpu.memory_space<vmem>>, vector<1x16xf32>,
        %get3A_206 = vector.shape_cast %get3A_205 : vector<1x16xf32> to vector<16xf32>
        %add3A_207 = arith.addf %add3A_165, %get3A_206 : vector<16xf32>
        %add3A_208 = arith.constant 2 : i32
        %add3A_209 = arith.addi %mul3A_157, %add3A_208 : i32
        %get3A_210 = arith.constant 0 : i32
        %get3A_211 = arith.constant 0 : i32
        %get3A_212 = tpu.memref_slice %arg6[%scan3A_82, %get3A_210, %get3A_211] : memref<2x200x32xf32, #tpu.memory_space<vmem>> -> memref<1x200x32xf32, #tpu.memory_space<vmem>>
        %get3A_213 = tpu.memref_squeeze %get3A_212 : memref<1x200x32xf32, #tpu.memory_space<vmem>> -> memref<200x32xf32, #tpu.memory_space<vmem>>
        %get3A_214 = arith.index_cast %add3A_209 : i32 to index
        %get3A_215 = arith.constant 16 : index
        %get3A_216 = tpu.vector_load %get3A_213[%get3A_214, %get3A_215] {strides = array<i32>} : memref<200x32xf32, #tpu.memory_space<vmem>>, vector<1x16xf32>,
        %get3A_217 = vector.shape_cast %get3A_216 : vector<1x16xf32> to vector<16xf32>
        %add3A_218 = arith.addf %add3A_174, %get3A_217 : vector<16xf32>
        %add3A_219 = arith.constant 3 : i32
        %add3A_220 = arith.addi %mul3A_157, %add3A_219 : i32
        %get3A_221 = arith.constant 0 : i32
        %get3A_222 = arith.constant 0 : i32
        %get3A_223 = tpu.memref_slice %arg6[%scan3A_82, %get3A_221, %get3A_222] : memref<2x200x32xf32, #tpu.memory_space<vmem>> -> memref<1x200x32xf32, #tpu.memory_space<vmem>>
        %get3A_224 = tpu.memref_squeeze %get3A_223 : memref<1x200x32xf32, #tpu.memory_space<vmem>> -> memref<200x32xf32, #tpu.memory_space<vmem>>
        %get3A_225 = arith.index_cast %add3A_220 : i32 to index
        %get3A_226 = arith.constant 0 : index
        %get3A_227 = tpu.vector_load %get3A_224[%get3A_225, %get3A_226] {strides = array<i32>} : memref<200x32xf32, #tpu.memory_space<vmem>>, vector<1x16xf32>,
        %get3A_228 = vector.shape_cast %get3A_227 : vector<1x16xf32> to vector<16xf32>
        %add3A_229 = arith.addf %add3A_185, %get3A_228 : vector<16xf32>
        %add3A_230 = arith.constant 3 : i32
        %add3A_231 = arith.addi %mul3A_157, %add3A_230 : i32
        %get3A_232 = arith.constant 0 : i32
        %get3A_233 = arith.constant 0 : i32
        %get3A_234 = tpu.memref_slice %arg6[%scan3A_82, %get3A_232, %get3A_233] : memref<2x200x32xf32, #tpu.memory_space<vmem>> -> memref<1x200x32xf32, #tpu.memory_space<vmem>>
        %get3A_235 = tpu.memref_squeeze %get3A_234 : memref<1x200x32xf32, #tpu.memory_space<vmem>> -> memref<200x32xf32, #tpu.memory_space<vmem>>
        %get3A_236 = arith.index_cast %add3A_231 : i32 to index
        %get3A_237 = arith.constant 16 : index
        %get3A_238 = tpu.vector_load %get3A_235[%get3A_236, %get3A_237] {strides = array<i32>} : memref<200x32xf32, #tpu.memory_space<vmem>>, vector<1x16xf32>,
        %get3A_239 = vector.shape_cast %get3A_238 : vector<1x16xf32> to vector<16xf32>
        %add3A_240 = arith.addf %add3A_196, %get3A_239 : vector<16xf32>
        scf.yield %add3A_207, %add3A_218, %add3A_229, %add3A_240 : vector<16xf32>, vector<16xf32>, vector<16xf32>, vector<16xf32>
      }
      %scan3A_88 = arith.constant 50 : i32
      %add3A_89 = arith.addf %scan3A_87#0, %scan3A_87#2 : vector<16xf32>
      %swap3A = arith.index_cast %mul3A_33 : i32 to index
      %swap3A_90 = arith.constant 0 : index
      %swap3A_91 = tpu.vector_load %arg7[%swap3A, %swap3A_90] {strides = array<i32>} : memref<32x32xf32, #tpu.memory_space<vmem>>, vector<1x16xf32>,
      %swap3A_92 = vector.shape_cast %swap3A_91 : vector<1x16xf32> to vector<16xf32>
      %swap3A_93 = vector.shape_cast %add3A_89 : vector<16xf32> to vector<1x16xf32>
      tpu.vector_store %arg7[%swap3A, %swap3A_90], %swap3A_93 {strides = array<i32>} : memref<32x32xf32, #tpu.memory_space<vmem>>, vector<1x16xf32>,
      %add3A_94 = arith.addf %scan3A_87#1, %scan3A_87#3 : vector<16xf32>
      %swap3A_95 = arith.index_cast %mul3A_33 : i32 to index
      %swap3A_96 = arith.constant 16 : index
      %swap3A_97 = tpu.vector_load %arg7[%swap3A_95, %swap3A_96] {strides = array<i32>} : memref<32x32xf32, #tpu.memory_space<vmem>>, vector<1x16xf32>,
      %swap3A_98 = vector.shape_cast %swap3A_97 : vector<1x16xf32> to vector<16xf32>
      %swap3A_99 = vector.shape_cast %add3A_94 : vector<16xf32> to vector<1x16xf32>
      tpu.vector_store %arg7[%swap3A_95, %swap3A_96], %swap3A_99 {strides = array<i32>} : memref<32x32xf32, #tpu.memory_space<vmem>>, vector<1x16xf32>,
      %add3A_100 = arith.constant 1 : i32
      %add3A_101 = arith.addi %scan3A_31, %add3A_100 : i32
      %lt3A = arith.constant 16 : i32
      %lt3A_102 = arith.cmpi slt, %add3A_101, %lt3A : i32
      %convert_element_type3A = arith.extui %lt3A_102 : i1 to i32
      %cond3A = arith.constant 0 : i32
      %cond3A_103 = arith.cmpi ne, %convert_element_type3A, %cond3A : i32
      scf.if %cond3A_103 {
        %add3A_151 = arith.constant 2 : i32
        %add3A_152 = arith.addi %mul3A_33, %add3A_151 : i32
        %dma_start3A_153 = arith.constant 0 : i32
        %dma_start3A_154 = arith.constant 0 : i32
        %dma_start3A_155 = arith.constant 0 : i32
        %dma_start3A_156 = tpu.memref_slice %arg6[%dma_start3A_153, %dma_start3A_154, %dma_start3A_155] : memref<2x200x32xf32, #tpu.memory_space<vmem>> -> memref<1x128x32xf32, #tpu.memory_space<vmem>>
        %dma_start3A_157 = tpu.memref_squeeze %dma_start3A_156 : memref<1x128x32xf32, #tpu.memory_space<vmem>> -> memref<128x32xf32, #tpu.memory_space<vmem>>
        %dma_start3A_158 = arith.constant 0 : i32
        %dma_start3A_159 = tpu.memref_slice %arg5[%add3A_152, %dma_start3A_158] : memref<32x200xi32, #tpu.memory_space<vmem>> -> memref<1x128xi32, #tpu.memory_space<vmem>>
        %dma_start3A_160 = tpu.memref_squeeze %dma_start3A_159 : memref<1x128xi32, #tpu.memory_space<vmem>> -> memref<128xi32, #tpu.memory_space<vmem>>
        %dma_start3A_161 = arith.constant 0 : i32
        %dma_start3A_162 = arith.constant 0 : i32
        %dma_start3A_163 = tpu.memref_slice %arg3[%dma_start3A_161, %dma_start3A_162] : memref<100000x32xf32, #tpu.memory_space<hbm>> -> memref<100000x32xf32, #tpu.memory_space<hbm>>
        tpu.enqueue_indirect_dma source(%dma_start3A_163 : memref<100000x32xf32, #tpu.memory_space<hbm>>) target(%dma_start3A_157 : memref<128x32xf32, #tpu.memory_space<vmem>>) offsets(%dma_start3A_160 : memref<128xi32, #tpu.memory_space<vmem>>) semaphore(%arg8 : memref<!tpu.dma_semaphore, #tpu.memory_space<semaphore_mem>>)
        %dma_start3A_164 = arith.constant 0 : i32
        %dma_start3A_165 = arith.constant 128 : i32
        %dma_start3A_166 = arith.constant 0 : i32
        %dma_start3A_167 = tpu.memref_slice %arg6[%dma_start3A_164, %dma_start3A_165, %dma_start3A_166] : memref<2x200x32xf32, #tpu.memory_space<vmem>> -> memref<1x72x32xf32, #tpu.memory_space<vmem>>
        %dma_start3A_168 = tpu.memref_squeeze %dma_start3A_167 : memref<1x72x32xf32, #tpu.memory_space<vmem>> -> memref<72x32xf32, #tpu.memory_space<vmem>>
        %dma_start3A_169 = arith.constant 128 : i32
        %dma_start3A_170 = tpu.memref_slice %arg5[%add3A_152, %dma_start3A_169] : memref<32x200xi32, #tpu.memory_space<vmem>> -> memref<1x72xi32, #tpu.memory_space<vmem>>
        %dma_start3A_171 = tpu.memref_squeeze %dma_start3A_170 : memref<1x72xi32, #tpu.memory_space<vmem>> -> memref<72xi32, #tpu.memory_space<vmem>>
        %dma_start3A_172 = arith.constant 0 : i32
        %dma_start3A_173 = arith.constant 0 : i32
        %dma_start3A_174 = tpu.memref_slice %arg3[%dma_start3A_172, %dma_start3A_173] : memref<100000x32xf32, #tpu.memory_space<hbm>> -> memref<100000x32xf32, #tpu.memory_space<hbm>>
        tpu.enqueue_indirect_dma source(%dma_start3A_174 : memref<100000x32xf32, #tpu.memory_space<hbm>>) target(%dma_start3A_168 : memref<72x32xf32, #tpu.memory_space<vmem>>) offsets(%dma_start3A_171 : memref<72xi32, #tpu.memory_space<vmem>>) semaphore(%arg8 : memref<!tpu.dma_semaphore, #tpu.memory_space<semaphore_mem>>)
      } else {
      }
      %dma_wait3A_104 = arith.constant 0 : i32
      %dma_wait3A_105 = arith.constant 1 : i32
      %dma_wait3A_106 = arith.constant 0 : i32
      %dma_wait3A_107 = arith.constant 0 : i32
      %dma_wait3A_108 = tpu.memref_slice %arg6[%dma_wait3A_105, %dma_wait3A_106, %dma_wait3A_107] : memref<2x200x32xf32, #tpu.memory_space<vmem>> -> memref<1x128x32xf32, #tpu.memory_space<vmem>>
      %dma_wait3A_109 = tpu.memref_squeeze %dma_wait3A_108 : memref<1x128x32xf32, #tpu.memory_space<vmem>> -> memref<128x32xf32, #tpu.memory_space<vmem>>
      %dma_wait3A_110 = arith.constant 0 : i32
      %dma_wait3A_111 = tpu.memref_slice %arg5[%dma_wait3A_104, %dma_wait3A_110] : memref<32x200xi32, #tpu.memory_space<vmem>> -> memref<1x128xi32, #tpu.memory_space<vmem>>
      %dma_wait3A_112 = tpu.memref_squeeze %dma_wait3A_111 : memref<1x128xi32, #tpu.memory_space<vmem>> -> memref<128xi32, #tpu.memory_space<vmem>>
      %dma_wait3A_113 = arith.constant 0 : i32
      %dma_wait3A_114 = arith.constant 0 : i32
      %dma_wait3A_115 = tpu.memref_slice %arg3[%dma_wait3A_113, %dma_wait3A_114] : memref<100000x32xf32, #tpu.memory_space<hbm>> -> memref<100000x32xf32, #tpu.memory_space<hbm>>
      tpu.wait_indirect_dma semaphore(%arg9 : memref<!tpu.dma_semaphore, #tpu.memory_space<semaphore_mem>>) src(%dma_wait3A_115 : memref<100000x32xf32, #tpu.memory_space<hbm>>) dst(%dma_wait3A_109 : memref<128x32xf32, #tpu.memory_space<vmem>>)
      %dma_wait3A_116 = arith.constant 0 : i32
      %dma_wait3A_117 = arith.constant 1 : i32
      %dma_wait3A_118 = arith.constant 128 : i32
      %dma_wait3A_119 = arith.constant 0 : i32
      %dma_wait3A_120 = tpu.memref_slice %arg6[%dma_wait3A_117, %dma_wait3A_118, %dma_wait3A_119] : memref<2x200x32xf32, #tpu.memory_space<vmem>> -> memref<1x72x32xf32, #tpu.memory_space<vmem>>
      %dma_wait3A_121 = tpu.memref_squeeze %dma_wait3A_120 : memref<1x72x32xf32, #tpu.memory_space<vmem>> -> memref<72x32xf32, #tpu.memory_space<vmem>>
      %dma_wait3A_122 = arith.constant 0 : i32
      %dma_wait3A_123 = tpu.memref_slice %arg5[%dma_wait3A_116, %dma_wait3A_122] : memref<32x200xi32, #tpu.memory_space<vmem>> -> memref<1x72xi32, #tpu.memory_space<vmem>>
      %dma_wait3A_124 = tpu.memref_squeeze %dma_wait3A_123 : memref<1x72xi32, #tpu.memory_space<vmem>> -> memref<72xi32, #tpu.memory_space<vmem>>
      %dma_wait3A_125 = arith.constant 0 : i32
      %dma_wait3A_126 = arith.constant 0 : i32
      %dma_wait3A_127 = tpu.memref_slice %arg3[%dma_wait3A_125, %dma_wait3A_126] : memref<100000x32xf32, #tpu.memory_space<hbm>> -> memref<100000x32xf32, #tpu.memory_space<hbm>>
      tpu.wait_indirect_dma semaphore(%arg9 : memref<!tpu.dma_semaphore, #tpu.memory_space<semaphore_mem>>) src(%dma_wait3A_127 : memref<100000x32xf32, #tpu.memory_space<hbm>>) dst(%dma_wait3A_121 : memref<72x32xf32, #tpu.memory_space<vmem>>)
      %add3A_128 = arith.constant 1 : i32
      %add3A_129 = arith.addi %mul3A_33, %add3A_128 : i32
      %broadcast_in_dim3A_130 = arith.constant 0.000000e+00 : f32
      %broadcast_in_dim3A_131 = vector.broadcast %broadcast_in_dim3A_130 : f32 to vector<16xf32>
      %scan3A_132 = arith.constant 1 : i32
      %scan3A_133 = arith.constant 0 : i32
      %scan3A_134 = arith.constant 50 : i32
      %scan3A_135 = arith.addi %scan3A_133, %scan3A_134 : i32
      %scan3A_136 = arith.constant 1 : i32
      %scan3A_137:4 = scf.for %scan3A_151 = %scan3A_133 to %scan3A_135 step %scan3A_136 iter_args(%scan3A_152 = %broadcast_in_dim3A_131, %scan3A_153 = %broadcast_in_dim3A_131, %scan3A_154 = %broadcast_in_dim3A_131, %scan3A_155 = %broadcast_in_dim3A_131) -> (vector<16xf32>, vector<16xf32>, vector<16xf32>, vector<16xf32>)  : i32 {
        %mul3A_156 = arith.constant 4 : i32
        %mul3A_157 = arith.muli %scan3A_151, %mul3A_156 : i32
        %get3A = arith.constant 0 : i32
        %get3A_158 = arith.constant 0 : i32
        %get3A_159 = tpu.memref_slice %arg6[%scan3A_132, %get3A, %get3A_158] : memref<2x200x32xf32, #tpu.memory_space<vmem>> -> memref<1x200x32xf32, #tpu.memory_space<vmem>>
        %get3A_160 = tpu.memref_squeeze %get3A_159 : memref<1x200x32xf32, #tpu.memory_space<vmem>> -> memref<200x32xf32, #tpu.memory_space<vmem>>
        %get3A_161 = arith.index_cast %mul3A_157 : i32 to index
        %get3A_162 = arith.constant 0 : index
        %get3A_163 = tpu.vector_load %get3A_160[%get3A_161, %get3A_162] {strides = array<i32>} : memref<200x32xf32, #tpu.memory_space<vmem>>, vector<1x16xf32>,
        %get3A_164 = vector.shape_cast %get3A_163 : vector<1x16xf32> to vector<16xf32>
        %add3A_165 = arith.addf %scan3A_152, %get3A_164 : vector<16xf32>
        %get3A_166 = arith.constant 0 : i32
        %get3A_167 = arith.constant 0 : i32
        %get3A_168 = tpu.memref_slice %arg6[%scan3A_132, %get3A_166, %get3A_167] : memref<2x200x32xf32, #tpu.memory_space<vmem>> -> memref<1x200x32xf32, #tpu.memory_space<vmem>>
        %get3A_169 = tpu.memref_squeeze %get3A_168 : memref<1x200x32xf32, #tpu.memory_space<vmem>> -> memref<200x32xf32, #tpu.memory_space<vmem>>
        %get3A_170 = arith.index_cast %mul3A_157 : i32 to index
        %get3A_171 = arith.constant 16 : index
        %get3A_172 = tpu.vector_load %get3A_169[%get3A_170, %get3A_171] {strides = array<i32>} : memref<200x32xf32, #tpu.memory_space<vmem>>, vector<1x16xf32>,
        %get3A_173 = vector.shape_cast %get3A_172 : vector<1x16xf32> to vector<16xf32>
        %add3A_174 = arith.addf %scan3A_153, %get3A_173 : vector<16xf32>
        %add3A_175 = arith.constant 1 : i32
        %add3A_176 = arith.addi %mul3A_157, %add3A_175 : i32
        %get3A_177 = arith.constant 0 : i32
        %get3A_178 = arith.constant 0 : i32
        %get3A_179 = tpu.memref_slice %arg6[%scan3A_132, %get3A_177, %get3A_178] : memref<2x200x32xf32, #tpu.memory_space<vmem>> -> memref<1x200x32xf32, #tpu.memory_space<vmem>>
        %get3A_180 = tpu.memref_squeeze %get3A_179 : memref<1x200x32xf32, #tpu.memory_space<vmem>> -> memref<200x32xf32, #tpu.memory_space<vmem>>
        %get3A_181 = arith.index_cast %add3A_176 : i32 to index
        %get3A_182 = arith.constant 0 : index
        %get3A_183 = tpu.vector_load %get3A_180[%get3A_181, %get3A_182] {strides = array<i32>} : memref<200x32xf32, #tpu.memory_space<vmem>>, vector<1x16xf32>,
        %get3A_184 = vector.shape_cast %get3A_183 : vector<1x16xf32> to vector<16xf32>
        %add3A_185 = arith.addf %scan3A_154, %get3A_184 : vector<16xf32>
        %add3A_186 = arith.constant 1 : i32
        %add3A_187 = arith.addi %mul3A_157, %add3A_186 : i32
        %get3A_188 = arith.constant 0 : i32
        %get3A_189 = arith.constant 0 : i32
        %get3A_190 = tpu.memref_slice %arg6[%scan3A_132, %get3A_188, %get3A_189] : memref<2x200x32xf32, #tpu.memory_space<vmem>> -> memref<1x200x32xf32, #tpu.memory_space<vmem>>
        %get3A_191 = tpu.memref_squeeze %get3A_190 : memref<1x200x32xf32, #tpu.memory_space<vmem>> -> memref<200x32xf32, #tpu.memory_space<vmem>>
        %get3A_192 = arith.index_cast %add3A_187 : i32 to index
        %get3A_193 = arith.constant 16 : index
        %get3A_194 = tpu.vector_load %get3A_191[%get3A_192, %get3A_193] {strides = array<i32>} : memref<200x32xf32, #tpu.memory_space<vmem>>, vector<1x16xf32>,
        %get3A_195 = vector.shape_cast %get3A_194 : vector<1x16xf32> to vector<16xf32>
        %add3A_196 = arith.addf %scan3A_155, %get3A_195 : vector<16xf32>
        %add3A_197 = arith.constant 2 : i32
        %add3A_198 = arith.addi %mul3A_157, %add3A_197 : i32
        %get3A_199 = arith.constant 0 : i32
        %get3A_200 = arith.constant 0 : i32
        %get3A_201 = tpu.memref_slice %arg6[%scan3A_132, %get3A_199, %get3A_200] : memref<2x200x32xf32, #tpu.memory_space<vmem>> -> memref<1x200x32xf32, #tpu.memory_space<vmem>>
        %get3A_202 = tpu.memref_squeeze %get3A_201 : memref<1x200x32xf32, #tpu.memory_space<vmem>> -> memref<200x32xf32, #tpu.memory_space<vmem>>
        %get3A_203 = arith.index_cast %add3A_198 : i32 to index
        %get3A_204 = arith.constant 0 : index
        %get3A_205 = tpu.vector_load %get3A_202[%get3A_203, %get3A_204] {strides = array<i32>} : memref<200x32xf32, #tpu.memory_space<vmem>>, vector<1x16xf32>,
        %get3A_206 = vector.shape_cast %get3A_205 : vector<1x16xf32> to vector<16xf32>
        %add3A_207 = arith.addf %add3A_165, %get3A_206 : vector<16xf32>
        %add3A_208 = arith.constant 2 : i32
        %add3A_209 = arith.addi %mul3A_157, %add3A_208 : i32
        %get3A_210 = arith.constant 0 : i32
        %get3A_211 = arith.constant 0 : i32
        %get3A_212 = tpu.memref_slice %arg6[%scan3A_132, %get3A_210, %get3A_211] : memref<2x200x32xf32, #tpu.memory_space<vmem>> -> memref<1x200x32xf32, #tpu.memory_space<vmem>>
        %get3A_213 = tpu.memref_squeeze %get3A_212 : memref<1x200x32xf32, #tpu.memory_space<vmem>> -> memref<200x32xf32, #tpu.memory_space<vmem>>
        %get3A_214 = arith.index_cast %add3A_209 : i32 to index
        %get3A_215 = arith.constant 16 : index
        %get3A_216 = tpu.vector_load %get3A_213[%get3A_214, %get3A_215] {strides = array<i32>} : memref<200x32xf32, #tpu.memory_space<vmem>>, vector<1x16xf32>,
        %get3A_217 = vector.shape_cast %get3A_216 : vector<1x16xf32> to vector<16xf32>
        %add3A_218 = arith.addf %add3A_174, %get3A_217 : vector<16xf32>
        %add3A_219 = arith.constant 3 : i32
        %add3A_220 = arith.addi %mul3A_157, %add3A_219 : i32
        %get3A_221 = arith.constant 0 : i32
        %get3A_222 = arith.constant 0 : i32
        %get3A_223 = tpu.memref_slice %arg6[%scan3A_132, %get3A_221, %get3A_222] : memref<2x200x32xf32, #tpu.memory_space<vmem>> -> memref<1x200x32xf32, #tpu.memory_space<vmem>>
        %get3A_224 = tpu.memref_squeeze %get3A_223 : memref<1x200x32xf32, #tpu.memory_space<vmem>> -> memref<200x32xf32, #tpu.memory_space<vmem>>
        %get3A_225 = arith.index_cast %add3A_220 : i32 to index
        %get3A_226 = arith.constant 0 : index
        %get3A_227 = tpu.vector_load %get3A_224[%get3A_225, %get3A_226] {strides = array<i32>} : memref<200x32xf32, #tpu.memory_space<vmem>>, vector<1x16xf32>,
        %get3A_228 = vector.shape_cast %get3A_227 : vector<1x16xf32> to vector<16xf32>
        %add3A_229 = arith.addf %add3A_185, %get3A_228 : vector<16xf32>
        %add3A_230 = arith.constant 3 : i32
        %add3A_231 = arith.addi %mul3A_157, %add3A_230 : i32
        %get3A_232 = arith.constant 0 : i32
        %get3A_233 = arith.constant 0 : i32
        %get3A_234 = tpu.memref_slice %arg6[%scan3A_132, %get3A_232, %get3A_233] : memref<2x200x32xf32, #tpu.memory_space<vmem>> -> memref<1x200x32xf32, #tpu.memory_space<vmem>>
        %get3A_235 = tpu.memref_squeeze %get3A_234 : memref<1x200x32xf32, #tpu.memory_space<vmem>> -> memref<200x32xf32, #tpu.memory_space<vmem>>
        %get3A_236 = arith.index_cast %add3A_231 : i32 to index
        %get3A_237 = arith.constant 16 : index
        %get3A_238 = tpu.vector_load %get3A_235[%get3A_236, %get3A_237] {strides = array<i32>} : memref<200x32xf32, #tpu.memory_space<vmem>>, vector<1x16xf32>,
        %get3A_239 = vector.shape_cast %get3A_238 : vector<1x16xf32> to vector<16xf32>
        %add3A_240 = arith.addf %add3A_196, %get3A_239 : vector<16xf32>
        scf.yield %add3A_207, %add3A_218, %add3A_229, %add3A_240 : vector<16xf32>, vector<16xf32>, vector<16xf32>, vector<16xf32>
      }
      %scan3A_138 = arith.constant 50 : i32
      %add3A_139 = arith.addf %scan3A_137#0, %scan3A_137#2 : vector<16xf32>
      %swap3A_140 = arith.index_cast %add3A_129 : i32 to index
      %swap3A_141 = arith.constant 0 : index
      %swap3A_142 = tpu.vector_load %arg7[%swap3A_140, %swap3A_141] {strides = array<i32>} : memref<32x32xf32, #tpu.memory_space<vmem>>, vector<1x16xf32>,
      %swap3A_143 = vector.shape_cast %swap3A_142 : vector<1x16xf32> to vector<16xf32>
      %swap3A_144 = vector.shape_cast %add3A_139 : vector<16xf32> to vector<1x16xf32>
      tpu.vector_store %arg7[%swap3A_140, %swap3A_141], %swap3A_144 {strides = array<i32>} : memref<32x32xf32, #tpu.memory_space<vmem>>, vector<1x16xf32>,
      %add3A_145 = arith.addf %scan3A_137#1, %scan3A_137#3 : vector<16xf32>
      %swap3A_146 = arith.index_cast %add3A_129 : i32 to index
      %swap3A_147 = arith.constant 16 : index
      %swap3A_148 = tpu.vector_load %arg7[%swap3A_146, %swap3A_147] {strides = array<i32>} : memref<32x32xf32, #tpu.memory_space<vmem>>, vector<1x16xf32>,
      %swap3A_149 = vector.shape_cast %swap3A_148 : vector<1x16xf32> to vector<16xf32>
      %swap3A_150 = vector.shape_cast %add3A_145 : vector<16xf32> to vector<1x16xf32>
      tpu.vector_store %arg7[%swap3A_146, %swap3A_147], %swap3A_150 {strides = array<i32>} : memref<32x32xf32, #tpu.memory_space<vmem>>, vector<1x16xf32>,
    }
    %scan3A_30 = arith.constant 16 : i32
    "tpu.region"() ({
      %run_scoped3A = tpu.sem_alloc : memref<!tpu.dma_semaphore, #tpu.memory_space<semaphore_mem>>
      %dma_start3A_31 = arith.constant 0 : i32
      %dma_start3A_32 = tpu.memref_slice %arg4[%mul3A_2, %dma_start3A_31] : memref<1024x32xf32, #tpu.memory_space<hbm>> -> memref<32x32xf32, #tpu.memory_space<hbm>>
      %dma_start3A_33 = arith.constant 0 : i32
      %dma_start3A_34 = tpu.memref_slice %arg4[%mul3A_2, %dma_start3A_33] : memref<1024x32xf32, #tpu.memory_space<hbm>> -> memref<32x32xf32, #tpu.memory_space<hbm>>
      tpu.enqueue_dma source(%arg7 : memref<32x32xf32, #tpu.memory_space<vmem>>) target(%dma_start3A_34 : memref<32x32xf32, #tpu.memory_space<hbm>>) target_semaphore(%run_scoped3A : memref<!tpu.dma_semaphore, #tpu.memory_space<semaphore_mem>>)
      %dma_wait3A = arith.constant 0 : i32
      %dma_wait3A_35 = tpu.memref_slice %arg4[%mul3A_2, %dma_wait3A] : memref<1024x32xf32, #tpu.memory_space<hbm>> -> memref<32x32xf32, #tpu.memory_space<hbm>>
      %dma_wait3A_36 = arith.constant 0 : i32
      %dma_wait3A_37 = tpu.memref_slice %arg4[%mul3A_2, %dma_wait3A_36] : memref<1024x32xf32, #tpu.memory_space<hbm>> -> memref<32x32xf32, #tpu.memory_space<hbm>>
      tpu.wait_dma2 semaphore(%run_scoped3A : memref<!tpu.dma_semaphore, #tpu.memory_space<semaphore_mem>>) src(%arg7 : memref<32x32xf32, #tpu.memory_space<vmem>>) dst(%dma_wait3A_37 : memref<32x32xf32, #tpu.memory_space<hbm>>)
      tpu.yield
    }) : () -> ()
    return
  }
}

module attributes {stable_mosaic.version = 14 : i64} {
  func.func @_mmT_body(%arg0: i32, %arg1: memref<1024x32xf32, #tpu.memory_space<vmem>>, %arg2: memref<32x2048xf32, #tpu.memory_space<vmem>>, %arg3: memref<1x2048xf32, #tpu.memory_space<vmem>>, %arg4: memref<2048x1024xf32, #tpu.memory_space<vmem>>) attributes {dimension_semantics = [#tpu.dimension_semantics<arbitrary>], iteration_bounds = array<i64: 49>, scalar_prefetch = 0 : i64, scratch_operands = 0 : i64, tpu.core_type = #tpu.core_type<tc>, window_params = [{pipeline_mode = #tpu.pipeline_mode<synchronous>, transform_indices = @transform_0, window_bounds = array<i64: 1024, 32>}, {transform_indices = @transform_1, window_bounds = array<i64: 32, 2048>}, {transform_indices = @transform_2, window_bounds = array<i64: 1, 2048>}, {transform_indices = @transform_3, window_bounds = array<i64: 2048, 1024>}]} {
    %get3A = arith.constant 0 : index
    %get3A_0 = arith.constant 0 : index
    %get3A_1 = vector.load %arg1[%get3A, %get3A_0] : memref<1024x32xf32, #tpu.memory_space<vmem>>, vector<1024x32xf32>
    %mul3A = arith.constant 5.000000e-03 : f32
    %mul3A_2 = vector.broadcast %mul3A : f32 to vector<1024x32xf32>
    %mul3A_3 = arith.mulf %get3A_1, %mul3A_2 : vector<1024x32xf32>
    %get3A_4 = arith.constant 0 : index
    %get3A_5 = arith.constant 0 : index
    %get3A_6 = vector.load %arg2[%get3A_4, %get3A_5] : memref<32x2048xf32, #tpu.memory_space<vmem>>, vector<32x2048xf32>
    %dot_general3A = arith.constant dense<0.000000e+00> : vector<2048x1024xf32>
    %dot_general3A_7 = tpu.matmul %get3A_6, %mul3A_3, %dot_general3A {dimension_numbers = #tpu.dot_dimension_numbers<[0], [1], [1], [0], [0, 1, 1, 0], [], []>, transpose_lhs_hint = false} : vector<32x2048xf32>, vector<1024x32xf32>, vector<2048x1024xf32> -> vector<2048x1024xf32>
    %broadcast_in_dim3A = arith.constant 1.000000e+00 : f32
    %broadcast_in_dim3A_8 = vector.broadcast %broadcast_in_dim3A : f32 to vector<1x1024xf32>
    %get3A_9 = arith.constant 0 : index
    %get3A_10 = arith.constant 0 : index
    %get3A_11 = vector.load %arg3[%get3A_9, %get3A_10] : memref<1x2048xf32, #tpu.memory_space<vmem>>, vector<1x2048xf32>
    %dot_general3A_12 = arith.constant dense<0.000000e+00> : vector<2048x1024xf32>
    %dot_general3A_13 = tpu.matmul %get3A_11, %broadcast_in_dim3A_8, %dot_general3A_12 {dimension_numbers = #tpu.dot_dimension_numbers<[0], [0], [1], [1], [0, 1, 1, 1], [], []>, transpose_lhs_hint = false} : vector<1x2048xf32>, vector<1x1024xf32>, vector<2048x1024xf32> -> vector<2048x1024xf32>
    %add3A = arith.addf %dot_general3A_7, %dot_general3A_13 : vector<2048x1024xf32>
    %swap3A = arith.constant 0 : index
    %swap3A_14 = arith.constant 0 : index
    %swap3A_15 = vector.load %arg4[%swap3A, %swap3A_14] : memref<2048x1024xf32, #tpu.memory_space<vmem>>, vector<2048x1024xf32>
    tpu.vector_store %arg4[%swap3A, %swap3A_14], %add3A {strides = array<i32>} : memref<2048x1024xf32, #tpu.memory_space<vmem>>, vector<2048x1024xf32>,
    return
  }
  func.func @transform_0(%arg0: i32) -> (i32, i32) {
    %c0_i32 = arith.constant 0 : i32
    %c0_i32_0 = arith.constant 0 : i32
    %c0_i32_1 = arith.constant 0 : i32
    return %c0_i32, %c0_i32_0 : i32, i32
  }
  func.func @transform_1(%arg0: i32) -> (i32, i32) {
    %c0_i32 = arith.constant 0 : i32
    %c0_i32_0 = arith.constant 0 : i32
    return %c0_i32, %arg0 : i32, i32
  }
  func.func @transform_2(%arg0: i32) -> (i32, i32) {
    %c0_i32 = arith.constant 0 : i32
    %c0_i32_0 = arith.constant 0 : i32
    return %c0_i32, %arg0 : i32, i32
  }
  func.func @transform_3(%arg0: i32) -> (i32, i32) {
    %c0_i32 = arith.constant 0 : i32
    %c0_i32_0 = arith.constant 0 : i32
    return %arg0, %c0_i32 : i32, i32
  }
}

</mosaic_0001>

<sc_bundles>
// kernel: _impl.4.cloned.1.call-start
scs
__scs_entry_jumppad:
0x0: {  	(pc) =	sbr.rel $0x88, $3  }
0x1: {  	(tag) =	ssettag $0x0;
	lr =	simm.s32 $0x1  }
0x2: {  	[smem:$0x3F9D] =	sst lr;
	_ =	strace $0xD0000000  }
0x3: {  	_ = 	snop  }
0x4: {  	_ = 	snop  }
0x5: {  	_ = 	snop  }
0x6: {  	_ = 	snop  }
0x7: {  	_ = 	snop  }
__scs_overlays_trampoline_lowered:
0x8: {  	[smem:$0x3FAC] =	sst s0  }
0x9: {  	[smem:$0x3FAD] =	sst s1  }
0xa: {  	[smem:$0x3FAE] =	sst s2  }
0xb: {  	[smem:$0x3FAF] =	sst s3  }
0xc: {  	[smem:$0x3FB0] =	sst s4  }
0xd: {  	[smem:$0x3FB1] =	sst s5  }
0xe: {  	[smem:$0x3FB2] =	sst s6  }
0xf: {  	[smem:$0x3FB3] =	sst s7  }
0x10: {  	[smem:$0x3FB4] =	sst s8  }
0x11: {  	[smem:$0x3FB5] =	sst s9;
	s0 =	simm.s32 @!p0 $0x0  }
0x12: {  	s1 =	sld [smem:$0x3F9B];
	s0 =	simm.s32 @p0 $0x1  }
0x13: {  	[smem:$0x3FB6] =	sst s0;
	s0 =	simm.s32 @!p1 $0x0  }
0x14: {  	s2 =	sld [smem:$0x3F9A];
	s0 =	simm.s32 @p1 $0x1  }
0x15: {  	[smem:$0x3FB7] =	sst s0;
	s0 =	simm.s32 @!p2 $0x0  }
0x16: {  	s3 =	sld [smem:$0x3FDB];
	s0 =	simm.s32 @p2 $0x1  }
0x17: {  	s4 =	simm.s32 $0x1BF5;
	[smem:$0x3FB9] =	sst s0  }
0x18: {  	s0 =	sld [smem:$0x3F9C];
	_ =	swait.ge [sflag:s4], $0x0  }
0x19: {  	s7 =	sld [smem:$0x3F9D]  }
0x1a: {  	s8 =	sadd.s32 $0xFFFFE003, lr  }
0x1b: {  	s9 =	sadd.s32 $0xFFFFFEF7, lr;
	s5 =	simm.s32 $0xFFFFFFFF;
	p2 =	slt.u32 s8, $0xFFFFF086  }
0x1c: {  	p1 =	slt.u32 s9, $0xF7A;
	s5 =	simm.s32 @!p2 $0x0  }
0x1d: {  	s5 =	simm.s32 @p1 $0x1;
	p0 =	seq.s32 s7, s2  }
0x1e: {  	s7 =	smul.u32 @!p0 $0xF7A, s2;
	p2 =	seq.s32 @!p0 s5, $0x0  }
0x1f: {  	s9 =	smul.u32 $0xF7A, s1;
	s8 =	simm.s32 @!p0 $0x1BF5;
	p2 =	por !p2, p0  }
0x20: {  	[sflag:s8] =	ssyncset.s32 @!p0 $0xFFFFF086;
	s6 =	sadd.s32 @!p0 s3, s7;
	s7 =	simm.s32 @!p0 $0x108  }
0x21: {  	s3 =	sadd.s32 s3, s9;
	s6 =	sadd.s32 @!p0 $0x88, s6;
	s7 =	simm.s32 @p2 $0x1082  }
0x22: {  	[simem:s7], [sflag:s8] =	dma.local @!p0 [hbm:s6], $0xF7A  }
0x23: {  	s9 =	sor.u32 $0xD0000000, s2;
	s6 =	simm.s32 $0x108;
	_ =	swait.ge @!p0 [sflag:s8], $0x0  }
0x24: {  	s3 =	sadd.s32 $0x88, s3;
	s6 =	simm.s32 @!p1 $0x1082;
	[sflag:s4] =	ssyncset.s32 $0xFFFFF086  }
0x25: {  	[simem:s6], [sflag:s4] =	dma.local [hbm:s3], $0xF7A  }
0x26: {  	[smem:$0x3F9D] =	sst s1;
	(tag) =	ssettag s2;
	_ =	strace s9  }
0x27: {  	s1 =	sld [smem:$0x3FAD]  }
0x28: {  	s2 =	sld [smem:$0x3FAE]  }
0x29: {  	s4 =	sld [smem:$0x3FB0]  }
0x2a: {  	p0 =	seq.s32 s5, $0x0;
	s5 =	sld [smem:$0x3FB1]  }
0x2b: {  	s6 =	sld [smem:$0x3FB2]  }
0x2c: {  	s7 =	sld [smem:$0x3FB3]  }
0x2d: {  	s3 =	simm.s32 $0x108;
	s8 =	sld [smem:$0x3FB4]  }
0x2e: {  	s3 =	simm.s32 @!p0 $0x1082;
	s9 =	sld [smem:$0x3FB5]  }
0x2f: {  	lr =	sadd.s32 s0, s3;
	s0 =	sld [smem:$0x3FAC]  }
0x30: {  	s3 =	sld [smem:$0x3FAF]  }
0x31: {  	[smem:$0x3FB8] =	sst s10  }
0x32: {  	s10 =	sld [smem:$0x3FB6];
	_ =	sdelay $0x3  }
0x33: {  	p0 =	seq.s32 s10, $0x1;
	s10 =	sld [smem:$0x3FB8];
	_ =	sdelay $0x3  }
0x34: {  	[smem:$0x3FB8] =	sst s10  }
0x35: {  	s10 =	sld [smem:$0x3FB7];
	_ =	sdelay $0x3  }
0x36: {  	p1 =	seq.s32 s10, $0x1;
	s10 =	sld [smem:$0x3FB8];
	_ =	sdelay $0x3  }
0x37: {  	[smem:$0x3FB8] =	sst s10  }
0x38: {  	s10 =	sld [smem:$0x3FB9]  }
0x39: {  	_ = 	snop;
	(pc) =	sbr.ind lr, $3  }
0x3a: {  	_ = 	snop  }
0x3b: {  	_ = 	snop  }
0x3c: {  	p2 =	seq.s32 s10, $0x1;
	s10 =	sld [smem:$0x3FB8]  }
0x3d: {  	_ =	shalt  }
0x3e: {  	_ =	shalt  }
0x3f: {  	_ =	shalt  }
0x40: {  	_ =	shalt  }
0x41: {  	_ =	shalt  }
0x42: {  	_ =	shalt  }
0x43: {  	_ =	shalt  }
0x44: {  	_ =	shalt  }
0x45: {  	_ =	shalt  }
0x46: {  	_ =	shalt  }
0x47: {  	_ =	shalt  }
0x48: {  	_ =	shalt  }
0x49: {  	_ =	shalt  }
0x4a: {  	_ =	shalt  }
0x4b: {  	_ =	shalt  }
0x4c: {  	_ =	shalt  }
0x4d: {  	_ =	shalt  }
0x4e: {  	_ =	shalt  }
0x4f: {  	_ =	shalt  }
0x50: {  	_ =	shalt  }
0x51: {  	_ =	shalt  }
0x52: {  	_ =	shalt  }
0x53: {  	_ =	shalt  }
0x54: {  	_ =	shalt  }
0x55: {  	_ =	shalt  }
0x56: {  	_ =	shalt  }
0x57: {  	_ =	shalt  }
0x58: {  	_ =	shalt  }
0x59: {  	_ =	shalt  }
0x5a: {  	_ =	shalt  }
0x5b: {  	_ =	shalt  }
0x5c: {  	_ =	shalt  }
0x5d: {  	_ =	shalt  }
0x5e: {  	_ =	shalt  }
0x5f: {  	_ =	shalt  }
0x60: {  	_ =	shalt  }
0x61: {  	_ =	shalt  }
0x62: {  	_ =	shalt  }
0x63: {  	_ =	shalt  }
0x64: {  	_ =	shalt  }
0x65: {  	_ =	shalt  }
0x66: {  	_ =	shalt  }
0x67: {  	_ =	shalt  }
0x68: {  	_ =	shalt  }
0x69: {  	_ =	shalt  }
0x6a: {  	_ =	shalt  }
0x6b: {  	_ =	shalt  }
0x6c: {  	_ =	shalt  }
0x6d: {  	_ =	shalt  }
0x6e: {  	_ =	shalt  }
0x6f: {  	_ =	shalt  }
0x70: {  	_ =	shalt  }
0x71: {  	_ =	shalt  }
0x72: {  	_ =	shalt  }
0x73: {  	_ =	shalt  }
0x74: {  	_ =	shalt  }
0x75: {  	_ =	shalt  }
0x76: {  	_ =	shalt  }
0x77: {  	_ =	shalt  }
0x78: {  	_ =	shalt  }
0x79: {  	_ =	shalt  }
0x7a: {  	_ =	shalt  }
0x7b: {  	_ =	shalt  }
0x7c: {  	_ =	shalt  }
0x7d: {  	_ =	shalt  }
0x7e: {  	_ =	shalt  }
0x7f: {  	_ =	shalt  }
0x80: {  	_ =	shalt  }
0x81: {  	_ =	shalt  }
0x82: {  	_ =	shalt  }
0x83: {  	_ =	shalt  }
0x84: {  	_ =	shalt  }
0x85: {  	_ =	shalt  }
0x86: {  	_ =	shalt  }
0x87: {  	_ =	shalt  }
.Lfunc_end0:
.L_simem_size_0:
called_computation_lowered:
.L_overlay_start_0:
0x88: {  	s2 =	sld [smem:$0x3FD9]  }
0x89: {  	s3 =	sld [smem:$0x3FFE];
	_ =	sdelay $0x1  }
0x8a: {  	s1 =	srdreg.scid  }
0x8b: {  	s0 =	sand.u32 $0x1, s1  }
0x8c: {  	s17 =	sshll.u32 s0, $0xA;
	s2 =	sadd.s32 s3, s2  }
0x8d: {  	s2 =	sadd.s32 s2, s17  }
0x8e: {  	[smem:$0x3FC4] =	sst s2  }
0x8f: {  	_ = 	snop  }
0x90: {  	s2 =	sld [smem:$0x3FD0];
	(tm) =	ssettm $0x1  }
0x91: {  	s18 =	sld [smem:$0x3FFB];
	_ =	sdelay $0x3  }
0x92: {  	_ =	strace s18  }
0x93: {  	s3 =	sld [smem:$0x3FFC];
	_ =	sdelay $0x3  }
0x94: {  	_ =	strace s3  }
0x95: {  	s3 =	sld [smem:$0x3FFD];
	_ =	sdelay $0x3  }
0x96: {  	_ =	strace s3  }
0x97: {  	_ =	strace $0x8FFFFFFF  }
0x98: {  	s19 =	sld [smem:$0x3FDB];
	_ =	sdelay $0x1  }
0x99: {  	s4 =	simm.s32 $_scs_section_size  }
0x9a: {  	s5 =	simm.s32 $_size__tile_overlayer_lowered;
	s6 =	simm.s32 $_tile_overlayer_lowered  }
0x9b: {  	s22 =	simm.s32 $0x1BFF;
	s21 =	sshll.u32 s6, $0x1;
	s3 =	sadd.s32 s4, s19  }
0x9c: {  	s7 =	simm.s32 $0x0;
	s20 =	sshll.u32 s5, $0x1;
	s5 =	sadd.s32 s21, s3  }
0x9d: {  	[timem:s7], [sflag:s22] =	dma.local [hbm:s5], s20  }
0x9e: {  	_ =	swait.ge [sflag:s22], s20  }
0x9f: {  	s4 =	ssub.s32 $0x0, s20;
	[sflag:s22] =	ssyncset.done $0x0  }
0xa0: {  	[sflag:s22] =	ssyncadd.s32 s4;
	_ =	sdelay $0x1  }
0xa1: {  	s23 =	simm.s32 $0x1B8B  }
0xa2: {  	_ =	swait.ge [sflag:s23], $0x1  }
0xa3: {  	[sflag:s23] =	ssyncset.done $0x0  }
0xa4: {  	s25 =	simm.s32 $0x1B8E;
	s24 =	sld [smem:$0x3FFE];
	[sflag:s23] =	ssyncadd.s32 $0xFFFFFFFF  }
0xa5: {  	s26 =	simm.s32 $execute0_lowered;
	[smem:$0x3FD2] =	sst s25  }
0xa6: {  	s5 =	sshll.u32 s26, $0x1;
	_ =	strace $0x80000046;
	[dreg:$0x1] =	wrdreg $0xFFFFFFFF  }
0xa7: {  	s28 =	simm.s32 $_size_execute0_lowered;
	s3 =	sadd.s32 s3, s5;
	[dreg:$0x0] =	wrdreg $0x0  }
0xa8: {  	s5 =	sshll.u32 s28, $0x1;
	[dreg:$0x2] =	wrdreg s3  }
0xa9: {  	[dreg:$0x3] =	wrdreg s5  }
0xaa: {  	[dreg:$0x4] =	wrdreg $0xC0  }
0xab: {  	_ =	task [dreg:s7], $0x5FFFF  }
0xac: {  	[dreg:$0x1] =	wrdreg $0xFFFFFFFF  }
0xad: {  	[dreg:$0x0] =	wrdreg $0x60  }
0xae: {  	[dreg:$0x2] =	wrdreg s24  }
0xaf: {  	[dreg:$0x3] =	wrdreg s2  }
0xb0: {  	[dreg:$0x4] =	wrdreg $0x9  }
0xb1: {  	_ =	task.clear_ibuf [dreg:s7], $0x5FFFF;
	_ =	strace $0x90000046  }
0xb2: {  	s29 =	simm.s32 $0x9;
	_ =	strace $0x80000048  }
0xb3: {  	_ =	swait.ge [sflag:s29], $0x1  }
0xb4: {  	[sflag:s29] =	ssyncadd.s32 $0xFFFFFFFF  }
0xb5: {  	_ =	strace $0x90000048  }
0xb6: {  	_ =	sfence  }
0xb7: {  	s30 =	sld [smem:$0x0];
	_ =	sdelay $0x2  }
0xb8: {  	s31 =	sshll.u32 s1, $0xD;
	s1 =	sshrl.u32 s1, $0x2  }
0xb9: {  	s3 =	sand.u32 $0x4000, s31;
	s1 =	sadd.s32 s1, s30  }
0xba: {  	s0 =	sor.u32 s3, s0;
	s1 =	sshll.u32 s1, $0x11  }
0xbb: {  	s0 =	sor.u32 s1, s0  }
0xbc: {  	s0 =	sadd.s32 $0x8F2B, s0  }
0xbd: {  	[sflag:s0] =	ssyncadd.remote.s32 $0x1  }
0xbe: {  	_ =	sfence.sel $0xFFFF  }
0xbf: {  	[dreg:$0x0] =	wrdreg $0xFFFFFFFF;
	(pc) =	sbr.abs _section_cstart, $3  }
0xc0: {  	[dreg:$0x1] =	wrdreg $0xFFFFFFFF  }
0xc1: {  	_ =	task.clear_ibuf [dreg:s7], $0x2FFFF;
	_ =	strace $0x9FFFFFFF  }
0xc2: {  	(tm) =	ssettm $0x7FFFFFFF  }
0xc3: {  	_ =	shalt  }
tec
execute0_lowered:
.L_overlay_start_1:
0x0: {  	(tag) =	ssettag $0x1  }
0x1: {  	s1 =	srdreg.scid  }
0x2: {  	s0 =	stileid.u32;
	s4 =	rddreg [dreg:$0x0]  }
0x3: {  	s5 =	rddreg [dreg:$0x1];
	s9 =	simm.s32 $0x1900;
	s10 =	simm.s32 $0x48  }
0x4: {  	s11 =	simm.s32 $0x2900;
	s12 =	simm.s32 $0x3200;
	s13 =	simm.s32 $0x4200  }
0x5: {  	s14 =	simm.s32 $0x1;
	s15 =	simm.s32 $0x2;
	s16 =	simm.s32 $0x4B00  }
0x6: {  	s17 =	simm.s32 $0x0;
	s3 =	sand.u32 $0x1, s1;
	s30 =	sshll.u32 s0, $0x6  }
0x7: {  	s1 =	rddreg [dreg:$0x2];
	s2 =	sshll.u32 s3, $0x5;
	s8 =	ssub.s32 $0x2, s3  }
0x8: {  	s3 =	sadd.s32 $0x7A00, s4;
	s6 =	sor.u32 s2, s30;
	s2 =	simm.s32 $0x0  }
0x9: {  	s31 =	sshrl.u32 s8, $0x1;
	s7 =	smul.u32 $0x19, s6;
	[smem:$0x7FF] =	sst s2  }
0xa: {  	s6 =	sshll.u32 s6, $0x2;
	s8 =	ssub.s32 s8, s31;
	_ =	strace $0x80000047  }
0xb: {  	s5 =	sadd.s32 s5, s6;
	s6 =	smax.u32 s8, $0x1;
	s7 =	sadd.s32 s7, s4  }
0xc: {  	s8 =	simm.s32 $0x80;
	s4 =	sadd.s32 $0x1600, s7;
	s7 =	simm.s32 $0x3  }
.LBB2_1:
0xd: {  	[tilespmem:s2], [sflag:$0x3] =	stream.linear.gather [hbm4b:s4+s2], $0x1900, $0x38;
	[tilespmem:$0x4F00] =	vst v63  }
0xe: {  	_ =	swait.ge [sflag:s7], $0x1900  }
0xf: {  	[sflag:s7] =	ssyncset.done $0x0  }
0x10: {  	[sflag:s7] =	ssyncadd.s32 $0xFFFFE700  }
0x11: {  	[tilespmem:s9], [sflag:$0x1] =	stream.indirect.gather [hbm4b:s3+s8], $0x20, s2, s8, $0xb8;
	[tilespmem:$0x4F00] =	vst v63  }
0x12: {  	s19 =	simm.s32 $0x0  }
0x13: {  	[tilespmem:s11], [sflag:$0x1] =	stream.indirect.gather [hbm4b:s3+s10], $0x20, s8, s10, $0xb8;
	[tilespmem:$0x4F00] =	vst v63  }
.LBB2_2:
0x14: {  	s18 =	sshllo.u32 s19, $0x1  }
0x15: {  	s20 =	smul.u32 $0x320, s18;
	_ =	sdelay $0x1  }
0x16: {  	s20 =	sshra.s32 s20, $0x2  }
0x17: {  	[tilespmem:s12], [sflag:$0x2] =	stream.indirect.gather [hbm4b:s3+s8], $0x20, s20, s8, $0xb8;
	[tilespmem:$0x4F00] =	vst v63  }
0x18: {  	s20 =	sadd.s32 $0x80, s20  }
0x19: {  	[tilespmem:s13], [sflag:$0x2] =	stream.indirect.gather [hbm4b:s3+s10], $0x20, s20, s10, $0xb8;
	[tilespmem:$0x4F00] =	vst v63  }
0x1a: {  	_ =	swait.ge [sflag:s14], $0x1000  }
0x1b: {  	[sflag:s14] =	ssyncset.done $0x0  }
0x1c: {  	[sflag:s14] =	ssyncadd.s32 $0xFFFFF000  }
0x1d: {  	_ =	swait.ge [sflag:s14], $0x900  }
0x1e: {  	[sflag:s14] =	ssyncset.done $0x0  }
0x1f: {  	s20 =	simm.s32 $0x0;
	[sflag:s14] =	ssyncadd.s32 $0xFFFFF700  }
0x20: {  	v1 =	vld [tilespmem:s20+$0x1940]  }
0x21: {  	v0 =	vld [tilespmem:s20+$0x1950]  }
0x22: {  	v2 =	vld [tilespmem:s20+$0x1900]  }
0x23: {  	v4 =	vimm.f32 $0.0e+00;
	v3 =	vld [tilespmem:s20+$0x1910]  }
0x24: {  	s21 =	simm.s32 $0x200;
	v6 =	vimm.f32 $0.0e+00;
	v8 =	vimm.f32 $0.0e+00;
	v7 =	vimm.f32 $0.0e+00;
	v5 =	vld [tilespmem:s20+$0x1920]  }
.LBB2_3:
0x25: {  	p0 =	sne.s32 s21, $0x6200;
	v9 =	vld [tilespmem:s20+$0x1930];
	v10 =	vmov v1  }
0x26: {  	v11 =	vld [tilespmem:s20+$0x1960];
	v12 =	vmov v0  }
0x27: {  	v13 =	vld [tilespmem:s20+$0x1970];
	s20 =	sshra.s32 s21, $0x2  }
.Ltmp0:
0x28: {  	v1 =	vld [tilespmem:s20+$0x1940];
	(pc) =	sbr.rel @p0 .LBB2_3-.Ltmp0, $4  }
0x29: {  	v4 =	vadd.f32 v2, v4;
	v6 =	vadd.f32 v3, v6;
	v0 =	vld [tilespmem:s20+$0x1950]  }
0x2a: {  	v8 =	vadd.f32 v5, v8;
	v2 =	vld [tilespmem:s20+$0x1900];
	v7 =	vadd.f32 v9, v7  }
0x2b: {  	v4 =	vadd.f32 v10, v4;
	v6 =	vadd.f32 v12, v6;
	v3 =	vld [tilespmem:s20+$0x1910]  }
0x2c: {  	s21 =	sadd.s32 $0x200, s21;
	v8 =	vadd.f32 v11, v8;
	v5 =	vld [tilespmem:s20+$0x1920];
	v7 =	vadd.f32 v13, v7  }
0x2d: {  	v9 =	vld [tilespmem:s20+$0x1930]  }
0x2e: {  	v10 =	vld [tilespmem:s20+$0x1960]  }
0x2f: {  	v11 =	vld [tilespmem:s20+$0x1970];
	_ =	sdelay $0x1  }
0x30: {  	v2 =	vadd.f32 v2, v4;
	v4 =	vadd.f32 v5, v8  }
0x31: {  	v3 =	vadd.f32 v3, v6;
	v5 =	vadd.f32 v9, v7  }
0x32: {  	v1 =	vadd.f32 v1, v2;
	v2 =	vadd.f32 v10, v4  }
0x33: {  	p0 =	seq.s32 s19, $0xF;
	v0 =	vadd.f32 v0, v3;
	v3 =	vadd.f32 v11, v5  }
0x34: {  	s31 =	sshll.u32 s19, $0x6;
	s21 =	smul.u32 @!p0 $0x640, s19;
	v1 =	vadd.f32 v2, v1  }
0x35: {  	s20 =	sand.u32 $0x3FFFFFC0, s31;
	v0 =	vadd.f32 v3, v0  }
0x36: {  	s21 =	sshra.s32 @!p0 s21, $0x2;
	[tilespmem:s20+$0x4B00] =	vst v1  }
0x37: {  	s22 =	simm.s32 @!p0 $0x80;
	s23 =	simm.s32 @!p0 $0x1900;
	[tilespmem:s20+$0x4B10] =	vst v0;
	s20 =	sadd.s32 @!p0 $0x190, s21  }
0x38: {  	[tilespmem:s23], [sflag:$0x1] =	stream.indirect.gather @!p0 [hbm4b:s3+s22], $0x20, s20, s22, $0xb8;
	[tilespmem:$0x4F00] =	vst v63  }
0x39: {  	s20 =	sadd.s32 @!p0 $0x210, s21;
	s21 =	simm.s32 @!p0 $0x48;
	s22 =	simm.s32 @!p0 $0x2900  }
0x3a: {  	[tilespmem:s22], [sflag:$0x1] =	stream.indirect.gather @!p0 [hbm4b:s3+s21], $0x20, s20, s21, $0xb8;
	[tilespmem:$0x4F00] =	vst v63  }
0x3b: {  	_ =	swait.ge [sflag:s15], $0x1000  }
0x3c: {  	[sflag:s15] =	ssyncset.done $0x0  }
0x3d: {  	[sflag:s15] =	ssyncadd.s32 $0xFFFFF000  }
0x3e: {  	_ =	swait.ge [sflag:s15], $0x900  }
0x3f: {  	[sflag:s15] =	ssyncset.done $0x0  }
0x40: {  	s20 =	simm.s32 $0x0;
	[sflag:s15] =	ssyncadd.s32 $0xFFFFF700  }
0x41: {  	v1 =	vld [tilespmem:s20+$0x3240]  }
0x42: {  	v0 =	vld [tilespmem:s20+$0x3250]  }
0x43: {  	v2 =	vld [tilespmem:s20+$0x3200]  }
0x44: {  	v6 =	vimm.f32 $0.0e+00;
	v3 =	vld [tilespmem:s20+$0x3210]  }
0x45: {  	s19 =	sadd.s32 $0x1, s19;
	v8 =	vimm.f32 $0.0e+00;
	v7 =	vimm.f32 $0.0e+00;
	v4 =	vimm.f32 $0.0e+00;
	s21 =	simm.s32 $0x200;
	v5 =	vld [tilespmem:s20+$0x3220]  }
.LBB2_5:
0x46: {  	p0 =	sne.s32 s21, $0x6200;
	v9 =	vld [tilespmem:s20+$0x3230];
	v10 =	vmov v1  }
0x47: {  	v11 =	vld [tilespmem:s20+$0x3260];
	v12 =	vmov v0  }
0x48: {  	v13 =	vld [tilespmem:s20+$0x3270];
	s20 =	sshra.s32 s21, $0x2  }
.Ltmp1:
0x49: {  	v1 =	vld [tilespmem:s20+$0x3240];
	(pc) =	sbr.rel @p0 .LBB2_5-.Ltmp1, $4  }
0x4a: {  	v4 =	vadd.f32 v2, v4;
	v6 =	vadd.f32 v3, v6;
	v0 =	vld [tilespmem:s20+$0x3250]  }
0x4b: {  	v8 =	vadd.f32 v5, v8;
	v2 =	vld [tilespmem:s20+$0x3200];
	v7 =	vadd.f32 v9, v7  }
0x4c: {  	v4 =	vadd.f32 v10, v4;
	v6 =	vadd.f32 v12, v6;
	v3 =	vld [tilespmem:s20+$0x3210]  }
0x4d: {  	s21 =	sadd.s32 $0x200, s21;
	v8 =	vadd.f32 v11, v8;
	v5 =	vld [tilespmem:s20+$0x3220];
	v7 =	vadd.f32 v13, v7  }
0x4e: {  	v9 =	vld [tilespmem:s20+$0x3230]  }
0x4f: {  	v10 =	vld [tilespmem:s20+$0x3260]  }
0x50: {  	v11 =	vld [tilespmem:s20+$0x3270];
	_ =	sdelay $0x1  }
0x51: {  	v2 =	vadd.f32 v2, v4;
	v60 =	vadd.f32 v5, v8  }
0x52: {  	v3 =	vadd.f32 v3, v6;
	v61 =	vadd.f32 v9, v7  }
0x53: {  	p0 =	sne.s32 s19, $0x10;
	v1 =	vadd.f32 v1, v2;
	v62 =	vadd.f32 v10, v60  }
.Ltmp2:
0x54: {  	v0 =	vadd.f32 v0, v3;
	v63 =	vadd.f32 v11, v61;
	(pc) =	sbr.rel @p0 .LBB2_2-.Ltmp2, $4  }
0x55: {  	s18 =	sshll.u32 s18, $0x5;
	v1 =	vadd.f32 v62, v1  }
0x56: {  	s18 =	sand.u32 $0x3FFFFFE0, s18;
	v0 =	vadd.f32 v63, v0  }
0x57: {  	[tilespmem:s18+$0x4B00] =	vst v1  }
0x58: {  	[tilespmem:s18+$0x4B10] =	vst v0  }
0x59: {  	s17 =	sadd.s32 $0x1, s17  }
0x5a: {  	p0 =	sne.s32 s17, s6  }
.Ltmp3:
0x5b: {  	_ = 	snop;
	(pc) =	sbr.rel @p0 .LBB2_1-.Ltmp3, $4  }
0x5c: {  	[hbm4b:s5+s2] =	stream.linear.scatter [tilespmem:s16], [sflag:$0x3], $0x400, $0x38;
	[tilespmem:$0x4F00] =	vst v63  }
0x5d: {  	_ =	swait.ge [sflag:s7], $0x400  }
0x5e: {  	[sflag:s7] =	ssyncset.done $0x0  }
0x5f: {  	[sflag:s7] =	ssyncadd.s32 $0xFFFFFC00  }
0x60: {  	_ =	sfence.sel $0x180000  }
0x61: {  	[bflag:$0x0] =	sbarrier.arrive $0xFFFF  }
0x62: {  	p0 =	sne.s32 s0, $0x0;
	_ =	strace $0x90000047  }
0x63: {  	s0 =	sadd.s32 @!p0 $0x100000, s1;
	[bflag:$0x2] =	sbarrier.arrive $0xFFFF  }
0x64: {  	[sflag:s0] =	ssyncadd.tile.s32 @!p0 $0x1;
	_ =	shalt  }
.Lfunc_end2:
_tile_overlayer_lowered:
.L_overlay_start_2:
0x65: {  	(tag) =	ssettag $0x2  }
0x66: {  	s0 =	rddreg [dreg:$0x0];
	s2 =	stileid.u32  }
0x67: {  	s1 =	rddreg [dreg:$0x1];
	p0 =	sne.s32 s2, $0x0  }
0x68: {  	s3 =	rddreg [dreg:$0x2];
	[bflag:$0x3] =	sbarrier.arrive $0xFFFF;
	s2 =	simm.s32 @!p0 $0x1C03  }
0x69: {  	[timem:s3], [sflag:s2] =	dma.local @!p0 [hbm:s0], s1  }
0x6a: {  	s0 =	simm.s32 @!p0 $0x3  }
0x6b: {  	_ =	swait.ge @!p0 [sflag:s0], s1  }
0x6c: {  	s1 =	ssub.s32 @!p0 $0x0, s1;
	[sflag:s0] =	ssyncset.done @!p0 $0x0  }
0x6d: {  	[sflag:s0] =	ssyncadd.s32 @!p0 s1  }
0x6e: {  	[bflag:$0x3] =	sbarrier.arrive $0xFFFF  }
0x6f: {  	_ =	shalt  }

</sc_bundles>
